<compile_context>
chip_gen: v7x
topology: tpu7x:2x2x1
jax: 0.10.2.dev20260603
libtpu: 0.0.44.dev20260713+nightly
codegen_flags: <defaults>
</compile_context>

<pallas_src>
import dataclasses

import jax
import jax.numpy as jnp
from jax.experimental import pallas as pl
from jax.experimental.pallas import tpu as pltpu
from jax.experimental.pallas import tpu_sc as plsc

DIM = 128
WINDOW = 256
NBUF = 2
LANES = 16
NUM_CORES = 2
NUM_SUBCORES = 16


def kernel(x, I):
    B, S = x.shape
    n = B * S
    workers = NUM_CORES * NUM_SUBCORES
    chunk = n // workers
    m = chunk // WINDOW
    idx = x.reshape(n).astype(jnp.int32)
    mesh = plsc.VectorSubcoreMesh(core_axis_name="core", subcore_axis_name="subcore")

    cp = pltpu.CompilerParams()
    if "needs_layout_passes" in pltpu.CompilerParams.__dataclass_fields__:
        cp = dataclasses.replace(cp, needs_layout_passes=False)

    @pl.kernel(
        out_type=jax.ShapeDtypeStruct((n, DIM), I.dtype),
        mesh=mesh,
        compiler_params=cp,
        scratch_types=(
            [pltpu.VMEM((chunk,), jnp.int32)]
            + [pltpu.VMEM((WINDOW, DIM), jnp.float32)] * NBUF
            + [pltpu.SemaphoreType.DMA] * (NBUF + 1)
        ),
    )
    def onehot_kernel(table_hbm, i_hbm, o_hbm, idx_buf, *rest):
        bufs = rest[:NBUF]
        sems = rest[NBUF : 2 * NBUF]
        isem = rest[2 * NBUF]
        del table_hbm
        core = jax.lax.axis_index("core")
        sub = jax.lax.axis_index("subcore")
        wid = core * NUM_SUBCORES + sub
        base = wid * chunk

        zeros16 = jnp.zeros((LANES,), jnp.float32)
        ones16 = jnp.ones((LANES,), jnp.float32)
        lane_iota = jax.lax.iota(jnp.int32, LANES)

        pltpu.async_copy(i_hbm.at[pl.ds(base, chunk)], idx_buf, isem).wait()

        def zero_all(buf):
            @pl.loop(0, WINDOW)
            def _(r):
                row = buf.at[r]
                for c in range(0, DIM, LANES):
                    row[pl.ds(c, LANES)] = zeros16

        def scatter(buf, g, val):
            @pl.loop(0, WINDOW, step=LANES)
            def _(r0):
                rows = r0 + lane_iota
                cols = idx_buf[pl.ds(g * WINDOW + r0, LANES)]
                plsc.store_scatter(buf, [rows, cols], val)

        def issue(buf, g, sem):
            return pltpu.async_copy(
                buf, o_hbm.at[pl.ds(base + g * WINDOW, WINDOW)], sem
            )

        def wait(buf, g, sem):
            pltpu.make_async_copy(
                buf, o_hbm.at[pl.ds(base + g * WINDOW, WINDOW)], sem
            ).wait()

        for b in range(NBUF):
            zero_all(bufs[b])
            scatter(bufs[b], b, ones16)
            issue(bufs[b], b, sems[b])

        @pl.loop(1, m // NBUF)
        def _(p):
            for b in range(NBUF):
                g = NBUF * p + b
                wait(bufs[b], g - NBUF, sems[b])
                scatter(bufs[b], g - NBUF, zeros16)
                scatter(bufs[b], g, ones16)
                issue(bufs[b], g, sems[b])

        for b in range(NBUF):
            wait(bufs[b], m - NBUF + b, sems[b])

    out = onehot_kernel(I, idx)
    return out.reshape(B, S, DIM)

# --- scband reference (transcript-rebuilt; emitter-appended) ---
"""Pipeline reference for scband-positional-encoding-34041910788390 (READ-ONLY COPY).

The authoritative reference and input builder live on the scoring server;
editing this copy changes nothing except your own understanding.
"""

import jax, jax.numpy as jnp
import numpy as np

DIM = 128

def setup_inputs(seed: int = 0) -> dict:
    key = jax.random.key(seed)
    k1, = jax.random.split(key, 1)
    x = jax.random.randint(k1, (4096, 200), 0, DIM, dtype=jnp.int64)
    I = jnp.eye(DIM, dtype=jnp.float32)
    return {"x": x, "I": I}

def reference(x, I):
    # onehot mode: index_select rows of identity matrix, reshape to [*x.shape, dim]
    out_shape = list(x.shape) + [DIM]
    flat = x.reshape(-1).astype(jnp.int64)
    out = jnp.take(I, flat, axis=0)
    return out.reshape(out_shape)

if __name__ == "__main__":
    import jax
    _d = setup_inputs()
    print(jax.jit(kernel)(*tuple(_d.values())))

</pallas_src>

<mosaic_0001>
#map = affine_map<(d0, d1) -> (0, 0)>
#map1 = affine_map<(d0, d1) -> (0)>
module attributes {stable_mosaic.version = 14 : i64} {
  func.func @onehot_kernel(%arg0: i32, %arg1: i32, %arg2: memref<128x128xf32, #tpu.memory_space<hbm>>, %arg3: memref<819200xi32, #tpu.memory_space<hbm>>, %arg4: memref<819200x128xf32, #tpu.memory_space<hbm>>, %arg5: memref<25600xi32, #tpu.memory_space<vmem>>, %arg6: memref<256x128xf32, #tpu.memory_space<vmem>>, %arg7: memref<256x128xf32, #tpu.memory_space<vmem>>, %arg8: memref<!tpu.dma_semaphore, #tpu.memory_space<semaphore_mem>>, %arg9: memref<!tpu.dma_semaphore, #tpu.memory_space<semaphore_mem>>, %arg10: memref<!tpu.dma_semaphore, #tpu.memory_space<semaphore_mem>>) attributes {dimension_semantics = [#tpu.dimension_semantics<core_parallel>, #tpu.dimension_semantics<subcore_parallel>], iteration_bounds = array<i64: 2, 16>, scalar_prefetch = 0 : i64, scratch_operands = 6 : i64, tpu.core_type = #tpu.core_type<sc_vector_subcore>, window_params = [{transform_indices = #map}, {transform_indices = #map1}, {transform_indices = #map}]} {
    %mul3A = arith.constant 16 : i32
    %mul3A_0 = arith.muli %arg0, %mul3A : i32
    %add3A = arith.addi %mul3A_0, %arg1 : i32
    %mul3A_1 = arith.constant 25600 : i32
    %mul3A_2 = arith.muli %add3A, %mul3A_1 : i32
    %broadcast_in_dim3A = arith.constant 0.000000e+00 : f32
    %broadcast_in_dim3A_3 = vector.broadcast %broadcast_in_dim3A : f32 to vector<16xf32>
    %broadcast_in_dim3A_4 = arith.constant 1.000000e+00 : f32
    %broadcast_in_dim3A_5 = vector.broadcast %broadcast_in_dim3A_4 : f32 to vector<16xf32>
    %iota3A = tpu.iota {dimensions = array<i32: 0>} : vector<16xi32>
    %dma_start3A = tpu.memref_slice %arg3[%mul3A_2] : memref<819200xi32, #tpu.memory_space<hbm>> -> memref<25600xi32, #tpu.memory_space<hbm>>
    %dma_start3A_6 = tpu.memref_slice %arg3[%mul3A_2] : memref<819200xi32, #tpu.memory_space<hbm>> -> memref<25600xi32, #tpu.memory_space<hbm>>
    tpu.enqueue_dma source(%dma_start3A_6 : memref<25600xi32, #tpu.memory_space<hbm>>) target(%arg5 : memref<25600xi32, #tpu.memory_space<vmem>>) target_semaphore(%arg10 : memref<!tpu.dma_semaphore, #tpu.memory_space<semaphore_mem>>)
    %dma_wait3A = tpu.memref_slice %arg3[%mul3A_2] : memref<819200xi32, #tpu.memory_space<hbm>> -> memref<25600xi32, #tpu.memory_space<hbm>>
    %dma_wait3A_7 = tpu.memref_slice %arg3[%mul3A_2] : memref<819200xi32, #tpu.memory_space<hbm>> -> memref<25600xi32, #tpu.memory_space<hbm>>
    tpu.wait_dma2 semaphore(%arg10 : memref<!tpu.dma_semaphore, #tpu.memory_space<semaphore_mem>>) src(%dma_wait3A_7 : memref<25600xi32, #tpu.memory_space<hbm>>) dst(%arg5 : memref<25600xi32, #tpu.memory_space<vmem>>)
    %scan3A = arith.constant 0 : i32
    %scan3A_8 = arith.constant 256 : i32
    %scan3A_9 = arith.addi %scan3A, %scan3A_8 : i32
    %scan3A_10 = arith.constant 1 : i32
    scf.for %scan3A_56 = %scan3A to %scan3A_9 step %scan3A_10  : i32 {
      %mul3A_57 = arith.constant 1 : i32
      %mul3A_58 = arith.muli %scan3A_56, %mul3A_57 : i32
      %add3A_59 = arith.constant 0 : i32
      %add3A_60 = arith.addi %add3A_59, %mul3A_58 : i32
      %swap3A = arith.constant 0 : i32
      %swap3A_61 = tpu.memref_slice %arg6[%add3A_60, %swap3A] : memref<256x128xf32, #tpu.memory_space<vmem>> -> memref<1x128xf32, #tpu.memory_space<vmem>>
      %swap3A_62 = tpu.memref_squeeze %swap3A_61 : memref<1x128xf32, #tpu.memory_space<vmem>> -> memref<128xf32, #tpu.memory_space<vmem>>
      %swap3A_63 = arith.constant 0 : index
      %swap3A_64 = tpu.vector_load %swap3A_62[%swap3A_63] {strides = array<i32>} : memref<128xf32, #tpu.memory_space<vmem>>, vector<16xf32>,
      tpu.vector_store %swap3A_62[%swap3A_63], %broadcast_in_dim3A_3 {strides = array<i32>} : memref<128xf32, #tpu.memory_space<vmem>>, vector<16xf32>,
      %swap3A_65 = arith.constant 0 : i32
      %swap3A_66 = tpu.memref_slice %arg6[%add3A_60, %swap3A_65] : memref<256x128xf32, #tpu.memory_space<vmem>> -> memref<1x128xf32, #tpu.memory_space<vmem>>
      %swap3A_67 = tpu.memref_squeeze %swap3A_66 : memref<1x128xf32, #tpu.memory_space<vmem>> -> memref<128xf32, #tpu.memory_space<vmem>>
      %swap3A_68 = arith.constant 16 : index
      %swap3A_69 = tpu.vector_load %swap3A_67[%swap3A_68] {strides = array<i32>} : memref<128xf32, #tpu.memory_space<vmem>>, vector<16xf32>,
      tpu.vector_store %swap3A_67[%swap3A_68], %broadcast_in_dim3A_3 {strides = array<i32>} : memref<128xf32, #tpu.memory_space<vmem>>, vector<16xf32>,
      %swap3A_70 = arith.constant 0 : i32
      %swap3A_71 = tpu.memref_slice %arg6[%add3A_60, %swap3A_70] : memref<256x128xf32, #tpu.memory_space<vmem>> -> memref<1x128xf32, #tpu.memory_space<vmem>>
      %swap3A_72 = tpu.memref_squeeze %swap3A_71 : memref<1x128xf32, #tpu.memory_space<vmem>> -> memref<128xf32, #tpu.memory_space<vmem>>
      %swap3A_73 = arith.constant 32 : index
      %swap3A_74 = tpu.vector_load %swap3A_72[%swap3A_73] {strides = array<i32>} : memref<128xf32, #tpu.memory_space<vmem>>, vector<16xf32>,
      tpu.vector_store %swap3A_72[%swap3A_73], %broadcast_in_dim3A_3 {strides = array<i32>} : memref<128xf32, #tpu.memory_space<vmem>>, vector<16xf32>,
      %swap3A_75 = arith.constant 0 : i32
      %swap3A_76 = tpu.memref_slice %arg6[%add3A_60, %swap3A_75] : memref<256x128xf32, #tpu.memory_space<vmem>> -> memref<1x128xf32, #tpu.memory_space<vmem>>
      %swap3A_77 = tpu.memref_squeeze %swap3A_76 : memref<1x128xf32, #tpu.memory_space<vmem>> -> memref<128xf32, #tpu.memory_space<vmem>>
      %swap3A_78 = arith.constant 48 : index
      %swap3A_79 = tpu.vector_load %swap3A_77[%swap3A_78] {strides = array<i32>} : memref<128xf32, #tpu.memory_space<vmem>>, vector<16xf32>,
      tpu.vector_store %swap3A_77[%swap3A_78], %broadcast_in_dim3A_3 {strides = array<i32>} : memref<128xf32, #tpu.memory_space<vmem>>, vector<16xf32>,
      %swap3A_80 = arith.constant 0 : i32
      %swap3A_81 = tpu.memref_slice %arg6[%add3A_60, %swap3A_80] : memref<256x128xf32, #tpu.memory_space<vmem>> -> memref<1x128xf32, #tpu.memory_space<vmem>>
      %swap3A_82 = tpu.memref_squeeze %swap3A_81 : memref<1x128xf32, #tpu.memory_space<vmem>> -> memref<128xf32, #tpu.memory_space<vmem>>
      %swap3A_83 = arith.constant 64 : index
      %swap3A_84 = tpu.vector_load %swap3A_82[%swap3A_83] {strides = array<i32>} : memref<128xf32, #tpu.memory_space<vmem>>, vector<16xf32>,
      tpu.vector_store %swap3A_82[%swap3A_83], %broadcast_in_dim3A_3 {strides = array<i32>} : memref<128xf32, #tpu.memory_space<vmem>>, vector<16xf32>,
      %swap3A_85 = arith.constant 0 : i32
      %swap3A_86 = tpu.memref_slice %arg6[%add3A_60, %swap3A_85] : memref<256x128xf32, #tpu.memory_space<vmem>> -> memref<1x128xf32, #tpu.memory_space<vmem>>
      %swap3A_87 = tpu.memref_squeeze %swap3A_86 : memref<1x128xf32, #tpu.memory_space<vmem>> -> memref<128xf32, #tpu.memory_space<vmem>>
      %swap3A_88 = arith.constant 80 : index
      %swap3A_89 = tpu.vector_load %swap3A_87[%swap3A_88] {strides = array<i32>} : memref<128xf32, #tpu.memory_space<vmem>>, vector<16xf32>,
      tpu.vector_store %swap3A_87[%swap3A_88], %broadcast_in_dim3A_3 {strides = array<i32>} : memref<128xf32, #tpu.memory_space<vmem>>, vector<16xf32>,
      %swap3A_90 = arith.constant 0 : i32
      %swap3A_91 = tpu.memref_slice %arg6[%add3A_60, %swap3A_90] : memref<256x128xf32, #tpu.memory_space<vmem>> -> memref<1x128xf32, #tpu.memory_space<vmem>>
      %swap3A_92 = tpu.memref_squeeze %swap3A_91 : memref<1x128xf32, #tpu.memory_space<vmem>> -> memref<128xf32, #tpu.memory_space<vmem>>
      %swap3A_93 = arith.constant 96 : index
      %swap3A_94 = tpu.vector_load %swap3A_92[%swap3A_93] {strides = array<i32>} : memref<128xf32, #tpu.memory_space<vmem>>, vector<16xf32>,
      tpu.vector_store %swap3A_92[%swap3A_93], %broadcast_in_dim3A_3 {strides = array<i32>} : memref<128xf32, #tpu.memory_space<vmem>>, vector<16xf32>,
      %swap3A_95 = arith.constant 0 : i32
      %swap3A_96 = tpu.memref_slice %arg6[%add3A_60, %swap3A_95] : memref<256x128xf32, #tpu.memory_space<vmem>> -> memref<1x128xf32, #tpu.memory_space<vmem>>
      %swap3A_97 = tpu.memref_squeeze %swap3A_96 : memref<1x128xf32, #tpu.memory_space<vmem>> -> memref<128xf32, #tpu.memory_space<vmem>>
      %swap3A_98 = arith.constant 112 : index
      %swap3A_99 = tpu.vector_load %swap3A_97[%swap3A_98] {strides = array<i32>} : memref<128xf32, #tpu.memory_space<vmem>>, vector<16xf32>,
      tpu.vector_store %swap3A_97[%swap3A_98], %broadcast_in_dim3A_3 {strides = array<i32>} : memref<128xf32, #tpu.memory_space<vmem>>, vector<16xf32>,
    }
    %scan3A_11 = arith.constant 256 : i32
    %scan3A_12 = arith.constant 0 : i32
    %scan3A_13 = arith.constant 16 : i32
    %scan3A_14 = arith.addi %scan3A_12, %scan3A_13 : i32
    %scan3A_15 = arith.constant 1 : i32
    scf.for %scan3A_56 = %scan3A_12 to %scan3A_14 step %scan3A_15  : i32 {
      %mul3A_57 = arith.constant 16 : i32
      %mul3A_58 = arith.muli %scan3A_56, %mul3A_57 : i32
      %add3A_59 = arith.constant 0 : i32
      %add3A_60 = arith.addi %add3A_59, %mul3A_58 : i32
      %add3A_61 = vector.broadcast %add3A_60 : i32 to vector<16xi32>
      %add3A_62 = arith.addi %add3A_61, %iota3A : vector<16xi32>
      %add3A_63 = arith.constant 0 : i32
      %add3A_64 = arith.addi %add3A_63, %add3A_60 : i32
      %get3A = arith.index_cast %add3A_64 : i32 to index
      %get3A_65 = tpu.vector_load %arg5[%get3A] {strides = array<i32>} : memref<25600xi32, #tpu.memory_space<vmem>>, vector<16xi32>,
      tpu.vector_store_idx %arg6[%add3A_62, %get3A_65], %broadcast_in_dim3A_5 : memref<256x128xf32, #tpu.memory_space<vmem>>[vector<16xi32>, vector<16xi32>], vector<16xf32>,
    }
    %scan3A_16 = arith.constant 16 : i32
    %add3A_17 = arith.constant 0 : i32
    %add3A_18 = arith.addi %mul3A_2, %add3A_17 : i32
    %dma_start3A_19 = arith.constant 0 : i32
    %dma_start3A_20 = tpu.memref_slice %arg4[%add3A_18, %dma_start3A_19] : memref<819200x128xf32, #tpu.memory_space<hbm>> -> memref<256x128xf32, #tpu.memory_space<hbm>>
    %dma_start3A_21 = arith.constant 0 : i32
    %dma_start3A_22 = tpu.memref_slice %arg4[%add3A_18, %dma_start3A_21] : memref<819200x128xf32, #tpu.memory_space<hbm>> -> memref<256x128xf32, #tpu.memory_space<hbm>>
    tpu.enqueue_dma source(%arg6 : memref<256x128xf32, #tpu.memory_space<vmem>>) target(%dma_start3A_22 : memref<256x128xf32, #tpu.memory_space<hbm>>) target_semaphore(%arg8 : memref<!tpu.dma_semaphore, #tpu.memory_space<semaphore_mem>>)
    %scan3A_23 = arith.constant 0 : i32
    %scan3A_24 = arith.constant 256 : i32
    %scan3A_25 = arith.addi %scan3A_23, %scan3A_24 : i32
    %scan3A_26 = arith.constant 1 : i32
    scf.for %scan3A_56 = %scan3A_23 to %scan3A_25 step %scan3A_26  : i32 {
      %mul3A_57 = arith.constant 1 : i32
      %mul3A_58 = arith.muli %scan3A_56, %mul3A_57 : i32
      %add3A_59 = arith.constant 0 : i32
      %add3A_60 = arith.addi %add3A_59, %mul3A_58 : i32
      %swap3A = arith.constant 0 : i32
      %swap3A_61 = tpu.memref_slice %arg7[%add3A_60, %swap3A] : memref<256x128xf32, #tpu.memory_space<vmem>> -> memref<1x128xf32, #tpu.memory_space<vmem>>
      %swap3A_62 = tpu.memref_squeeze %swap3A_61 : memref<1x128xf32, #tpu.memory_space<vmem>> -> memref<128xf32, #tpu.memory_space<vmem>>
      %swap3A_63 = arith.constant 0 : index
      %swap3A_64 = tpu.vector_load %swap3A_62[%swap3A_63] {strides = array<i32>} : memref<128xf32, #tpu.memory_space<vmem>>, vector<16xf32>,
      tpu.vector_store %swap3A_62[%swap3A_63], %broadcast_in_dim3A_3 {strides = array<i32>} : memref<128xf32, #tpu.memory_space<vmem>>, vector<16xf32>,
      %swap3A_65 = arith.constant 0 : i32
      %swap3A_66 = tpu.memref_slice %arg7[%add3A_60, %swap3A_65] : memref<256x128xf32, #tpu.memory_space<vmem>> -> memref<1x128xf32, #tpu.memory_space<vmem>>
      %swap3A_67 = tpu.memref_squeeze %swap3A_66 : memref<1x128xf32, #tpu.memory_space<vmem>> -> memref<128xf32, #tpu.memory_space<vmem>>
      %swap3A_68 = arith.constant 16 : index
      %swap3A_69 = tpu.vector_load %swap3A_67[%swap3A_68] {strides = array<i32>} : memref<128xf32, #tpu.memory_space<vmem>>, vector<16xf32>,
      tpu.vector_store %swap3A_67[%swap3A_68], %broadcast_in_dim3A_3 {strides = array<i32>} : memref<128xf32, #tpu.memory_space<vmem>>, vector<16xf32>,
      %swap3A_70 = arith.constant 0 : i32
      %swap3A_71 = tpu.memref_slice %arg7[%add3A_60, %swap3A_70] : memref<256x128xf32, #tpu.memory_space<vmem>> -> memref<1x128xf32, #tpu.memory_space<vmem>>
      %swap3A_72 = tpu.memref_squeeze %swap3A_71 : memref<1x128xf32, #tpu.memory_space<vmem>> -> memref<128xf32, #tpu.memory_space<vmem>>
      %swap3A_73 = arith.constant 32 : index
      %swap3A_74 = tpu.vector_load %swap3A_72[%swap3A_73] {strides = array<i32>} : memref<128xf32, #tpu.memory_space<vmem>>, vector<16xf32>,
      tpu.vector_store %swap3A_72[%swap3A_73], %broadcast_in_dim3A_3 {strides = array<i32>} : memref<128xf32, #tpu.memory_space<vmem>>, vector<16xf32>,
      %swap3A_75 = arith.constant 0 : i32
      %swap3A_76 = tpu.memref_slice %arg7[%add3A_60, %swap3A_75] : memref<256x128xf32, #tpu.memory_space<vmem>> -> memref<1x128xf32, #tpu.memory_space<vmem>>
      %swap3A_77 = tpu.memref_squeeze %swap3A_76 : memref<1x128xf32, #tpu.memory_space<vmem>> -> memref<128xf32, #tpu.memory_space<vmem>>
      %swap3A_78 = arith.constant 48 : index
      %swap3A_79 = tpu.vector_load %swap3A_77[%swap3A_78] {strides = array<i32>} : memref<128xf32, #tpu.memory_space<vmem>>, vector<16xf32>,
      tpu.vector_store %swap3A_77[%swap3A_78], %broadcast_in_dim3A_3 {strides = array<i32>} : memref<128xf32, #tpu.memory_space<vmem>>, vector<16xf32>,
      %swap3A_80 = arith.constant 0 : i32
      %swap3A_81 = tpu.memref_slice %arg7[%add3A_60, %swap3A_80] : memref<256x128xf32, #tpu.memory_space<vmem>> -> memref<1x128xf32, #tpu.memory_space<vmem>>
      %swap3A_82 = tpu.memref_squeeze %swap3A_81 : memref<1x128xf32, #tpu.memory_space<vmem>> -> memref<128xf32, #tpu.memory_space<vmem>>
      %swap3A_83 = arith.constant 64 : index
      %swap3A_84 = tpu.vector_load %swap3A_82[%swap3A_83] {strides = array<i32>} : memref<128xf32, #tpu.memory_space<vmem>>, vector<16xf32>,
      tpu.vector_store %swap3A_82[%swap3A_83], %broadcast_in_dim3A_3 {strides = array<i32>} : memref<128xf32, #tpu.memory_space<vmem>>, vector<16xf32>,
      %swap3A_85 = arith.constant 0 : i32
      %swap3A_86 = tpu.memref_slice %arg7[%add3A_60, %swap3A_85] : memref<256x128xf32, #tpu.memory_space<vmem>> -> memref<1x128xf32, #tpu.memory_space<vmem>>
      %swap3A_87 = tpu.memref_squeeze %swap3A_86 : memref<1x128xf32, #tpu.memory_space<vmem>> -> memref<128xf32, #tpu.memory_space<vmem>>
      %swap3A_88 = arith.constant 80 : index
      %swap3A_89 = tpu.vector_load %swap3A_87[%swap3A_88] {strides = array<i32>} : memref<128xf32, #tpu.memory_space<vmem>>, vector<16xf32>,
      tpu.vector_store %swap3A_87[%swap3A_88], %broadcast_in_dim3A_3 {strides = array<i32>} : memref<128xf32, #tpu.memory_space<vmem>>, vector<16xf32>,
      %swap3A_90 = arith.constant 0 : i32
      %swap3A_91 = tpu.memref_slice %arg7[%add3A_60, %swap3A_90] : memref<256x128xf32, #tpu.memory_space<vmem>> -> memref<1x128xf32, #tpu.memory_space<vmem>>
      %swap3A_92 = tpu.memref_squeeze %swap3A_91 : memref<1x128xf32, #tpu.memory_space<vmem>> -> memref<128xf32, #tpu.memory_space<vmem>>
      %swap3A_93 = arith.constant 96 : index
      %swap3A_94 = tpu.vector_load %swap3A_92[%swap3A_93] {strides = array<i32>} : memref<128xf32, #tpu.memory_space<vmem>>, vector<16xf32>,
      tpu.vector_store %swap3A_92[%swap3A_93], %broadcast_in_dim3A_3 {strides = array<i32>} : memref<128xf32, #tpu.memory_space<vmem>>, vector<16xf32>,
      %swap3A_95 = arith.constant 0 : i32
      %swap3A_96 = tpu.memref_slice %arg7[%add3A_60, %swap3A_95] : memref<256x128xf32, #tpu.memory_space<vmem>> -> memref<1x128xf32, #tpu.memory_space<vmem>>
      %swap3A_97 = tpu.memref_squeeze %swap3A_96 : memref<1x128xf32, #tpu.memory_space<vmem>> -> memref<128xf32, #tpu.memory_space<vmem>>
      %swap3A_98 = arith.constant 112 : index
      %swap3A_99 = tpu.vector_load %swap3A_97[%swap3A_98] {strides = array<i32>} : memref<128xf32, #tpu.memory_space<vmem>>, vector<16xf32>,
      tpu.vector_store %swap3A_97[%swap3A_98], %broadcast_in_dim3A_3 {strides = array<i32>} : memref<128xf32, #tpu.memory_space<vmem>>, vector<16xf32>,
    }
    %scan3A_27 = arith.constant 256 : i32
    %scan3A_28 = arith.constant 0 : i32
    %scan3A_29 = arith.constant 16 : i32
    %scan3A_30 = arith.addi %scan3A_28, %scan3A_29 : i32
    %scan3A_31 = arith.constant 1 : i32
    scf.for %scan3A_56 = %scan3A_28 to %scan3A_30 step %scan3A_31  : i32 {
      %mul3A_57 = arith.constant 16 : i32
      %mul3A_58 = arith.muli %scan3A_56, %mul3A_57 : i32
      %add3A_59 = arith.constant 0 : i32
      %add3A_60 = arith.addi %add3A_59, %mul3A_58 : i32
      %add3A_61 = vector.broadcast %add3A_60 : i32 to vector<16xi32>
      %add3A_62 = arith.addi %add3A_61, %iota3A : vector<16xi32>
      %add3A_63 = arith.constant 256 : i32
      %add3A_64 = arith.addi %add3A_63, %add3A_60 : i32
      %get3A = arith.index_cast %add3A_64 : i32 to index
      %get3A_65 = tpu.vector_load %arg5[%get3A] {strides = array<i32>} : memref<25600xi32, #tpu.memory_space<vmem>>, vector<16xi32>,
      tpu.vector_store_idx %arg7[%add3A_62, %get3A_65], %broadcast_in_dim3A_5 : memref<256x128xf32, #tpu.memory_space<vmem>>[vector<16xi32>, vector<16xi32>], vector<16xf32>,
    }
    %scan3A_32 = arith.constant 16 : i32
    %add3A_33 = arith.constant 256 : i32
    %add3A_34 = arith.addi %mul3A_2, %add3A_33 : i32
    %dma_start3A_35 = arith.constant 0 : i32
    %dma_start3A_36 = tpu.memref_slice %arg4[%add3A_34, %dma_start3A_35] : memref<819200x128xf32, #tpu.memory_space<hbm>> -> memref<256x128xf32, #tpu.memory_space<hbm>>
    %dma_start3A_37 = arith.constant 0 : i32
    %dma_start3A_38 = tpu.memref_slice %arg4[%add3A_34, %dma_start3A_37] : memref<819200x128xf32, #tpu.memory_space<hbm>> -> memref<256x128xf32, #tpu.memory_space<hbm>>
    tpu.enqueue_dma source(%arg7 : memref<256x128xf32, #tpu.memory_space<vmem>>) target(%dma_start3A_38 : memref<256x128xf32, #tpu.memory_space<hbm>>) target_semaphore(%arg9 : memref<!tpu.dma_semaphore, #tpu.memory_space<semaphore_mem>>)
    %scan3A_39 = arith.constant 0 : i32
    %scan3A_40 = arith.constant 49 : i32
    %scan3A_41 = arith.addi %scan3A_39, %scan3A_40 : i32
    %scan3A_42 = arith.constant 1 : i32
    scf.for %scan3A_56 = %scan3A_39 to %scan3A_41 step %scan3A_42  : i32 {
      %mul3A_57 = arith.constant 1 : i32
      %mul3A_58 = arith.muli %scan3A_56, %mul3A_57 : i32
      %add3A_59 = arith.constant 1 : i32
      %add3A_60 = arith.addi %add3A_59, %mul3A_58 : i32
      %mul3A_61 = arith.constant 2 : i32
      %mul3A_62 = arith.muli %mul3A_61, %add3A_60 : i32
      %add3A_63 = arith.constant 0 : i32
      %add3A_64 = arith.addi %mul3A_62, %add3A_63 : i32
      %sub3A = arith.constant 2 : i32
      %sub3A_65 = arith.subi %add3A_64, %sub3A : i32
      %mul3A_66 = arith.constant 256 : i32
      %mul3A_67 = arith.muli %sub3A_65, %mul3A_66 : i32
      %add3A_68 = arith.addi %mul3A_2, %mul3A_67 : i32
      %dma_wait3A_69 = arith.constant 0 : i32
      %dma_wait3A_70 = tpu.memref_slice %arg4[%add3A_68, %dma_wait3A_69] : memref<819200x128xf32, #tpu.memory_space<hbm>> -> memref<256x128xf32, #tpu.memory_space<hbm>>
      %dma_wait3A_71 = arith.constant 0 : i32
      %dma_wait3A_72 = tpu.memref_slice %arg4[%add3A_68, %dma_wait3A_71] : memref<819200x128xf32, #tpu.memory_space<hbm>> -> memref<256x128xf32, #tpu.memory_space<hbm>>
      tpu.wait_dma2 semaphore(%arg8 : memref<!tpu.dma_semaphore, #tpu.memory_space<semaphore_mem>>) src(%arg6 : memref<256x128xf32, #tpu.memory_space<vmem>>) dst(%dma_wait3A_72 : memref<256x128xf32, #tpu.memory_space<hbm>>)
      %sub3A_73 = arith.constant 2 : i32
      %sub3A_74 = arith.subi %add3A_64, %sub3A_73 : i32
      %scan3A_75 = arith.constant 0 : i32
      %scan3A_76 = arith.constant 16 : i32
      %scan3A_77 = arith.addi %scan3A_75, %scan3A_76 : i32
      %scan3A_78 = arith.constant 1 : i32
      scf.for %scan3A_124 = %scan3A_75 to %scan3A_77 step %scan3A_78  : i32 {
        %mul3A_125 = arith.constant 16 : i32
        %mul3A_126 = arith.muli %scan3A_124, %mul3A_125 : i32
        %add3A_127 = arith.constant 0 : i32
        %add3A_128 = arith.addi %add3A_127, %mul3A_126 : i32
        %add3A_129 = vector.broadcast %add3A_128 : i32 to vector<16xi32>
        %add3A_130 = arith.addi %add3A_129, %iota3A : vector<16xi32>
        %mul3A_131 = arith.constant 256 : i32
        %mul3A_132 = arith.muli %sub3A_74, %mul3A_131 : i32
        %add3A_133 = arith.addi %mul3A_132, %add3A_128 : i32
        %get3A = arith.index_cast %add3A_133 : i32 to index
        %get3A_134 = tpu.vector_load %arg5[%get3A] {strides = array<i32>} : memref<25600xi32, #tpu.memory_space<vmem>>, vector<16xi32>,
        tpu.vector_store_idx %arg6[%add3A_130, %get3A_134], %broadcast_in_dim3A_3 : memref<256x128xf32, #tpu.memory_space<vmem>>[vector<16xi32>, vector<16xi32>], vector<16xf32>,
      }
      %scan3A_79 = arith.constant 16 : i32
      %scan3A_80 = arith.constant 0 : i32
      %scan3A_81 = arith.constant 16 : i32
      %scan3A_82 = arith.addi %scan3A_80, %scan3A_81 : i32
      %scan3A_83 = arith.constant 1 : i32
      scf.for %scan3A_124 = %scan3A_80 to %scan3A_82 step %scan3A_83  : i32 {
        %mul3A_125 = arith.constant 16 : i32
        %mul3A_126 = arith.muli %scan3A_124, %mul3A_125 : i32
        %add3A_127 = arith.constant 0 : i32
        %add3A_128 = arith.addi %add3A_127, %mul3A_126 : i32
        %add3A_129 = vector.broadcast %add3A_128 : i32 to vector<16xi32>
        %add3A_130 = arith.addi %add3A_129, %iota3A : vector<16xi32>
        %mul3A_131 = arith.constant 256 : i32
        %mul3A_132 = arith.muli %add3A_64, %mul3A_131 : i32
        %add3A_133 = arith.addi %mul3A_132, %add3A_128 : i32
        %get3A = arith.index_cast %add3A_133 : i32 to index
        %get3A_134 = tpu.vector_load %arg5[%get3A] {strides = array<i32>} : memref<25600xi32, #tpu.memory_space<vmem>>, vector<16xi32>,
        tpu.vector_store_idx %arg6[%add3A_130, %get3A_134], %broadcast_in_dim3A_5 : memref<256x128xf32, #tpu.memory_space<vmem>>[vector<16xi32>, vector<16xi32>], vector<16xf32>,
      }
      %scan3A_84 = arith.constant 16 : i32
      %mul3A_85 = arith.constant 256 : i32
      %mul3A_86 = arith.muli %add3A_64, %mul3A_85 : i32
      %add3A_87 = arith.addi %mul3A_2, %mul3A_86 : i32
      %dma_start3A_88 = arith.constant 0 : i32
      %dma_start3A_89 = tpu.memref_slice %arg4[%add3A_87, %dma_start3A_88] : memref<819200x128xf32, #tpu.memory_space<hbm>> -> memref<256x128xf32, #tpu.memory_space<hbm>>
      %dma_start3A_90 = arith.constant 0 : i32
      %dma_start3A_91 = tpu.memref_slice %arg4[%add3A_87, %dma_start3A_90] : memref<819200x128xf32, #tpu.memory_space<hbm>> -> memref<256x128xf32, #tpu.memory_space<hbm>>
      tpu.enqueue_dma source(%arg6 : memref<256x128xf32, #tpu.memory_space<vmem>>) target(%dma_start3A_91 : memref<256x128xf32, #tpu.memory_space<hbm>>) target_semaphore(%arg8 : memref<!tpu.dma_semaphore, #tpu.memory_space<semaphore_mem>>)
      %mul3A_92 = arith.constant 2 : i32
      %mul3A_93 = arith.muli %mul3A_92, %add3A_60 : i32
      %add3A_94 = arith.constant 1 : i32
      %add3A_95 = arith.addi %mul3A_93, %add3A_94 : i32
      %sub3A_96 = arith.constant 2 : i32
      %sub3A_97 = arith.subi %add3A_95, %sub3A_96 : i32
      %mul3A_98 = arith.constant 256 : i32
      %mul3A_99 = arith.muli %sub3A_97, %mul3A_98 : i32
      %add3A_100 = arith.addi %mul3A_2, %mul3A_99 : i32
      %dma_wait3A_101 = arith.constant 0 : i32
      %dma_wait3A_102 = tpu.memref_slice %arg4[%add3A_100, %dma_wait3A_101] : memref<819200x128xf32, #tpu.memory_space<hbm>> -> memref<256x128xf32, #tpu.memory_space<hbm>>
      %dma_wait3A_103 = arith.constant 0 : i32
      %dma_wait3A_104 = tpu.memref_slice %arg4[%add3A_100, %dma_wait3A_103] : memref<819200x128xf32, #tpu.memory_space<hbm>> -> memref<256x128xf32, #tpu.memory_space<hbm>>
      tpu.wait_dma2 semaphore(%arg9 : memref<!tpu.dma_semaphore, #tpu.memory_space<semaphore_mem>>) src(%arg7 : memref<256x128xf32, #tpu.memory_space<vmem>>) dst(%dma_wait3A_104 : memref<256x128xf32, #tpu.memory_space<hbm>>)
      %sub3A_105 = arith.constant 2 : i32
      %sub3A_106 = arith.subi %add3A_95, %sub3A_105 : i32
      %scan3A_107 = arith.constant 0 : i32
      %scan3A_108 = arith.constant 16 : i32
      %scan3A_109 = arith.addi %scan3A_107, %scan3A_108 : i32
      %scan3A_110 = arith.constant 1 : i32
      scf.for %scan3A_124 = %scan3A_107 to %scan3A_109 step %scan3A_110  : i32 {
        %mul3A_125 = arith.constant 16 : i32
        %mul3A_126 = arith.muli %scan3A_124, %mul3A_125 : i32
        %add3A_127 = arith.constant 0 : i32
        %add3A_128 = arith.addi %add3A_127, %mul3A_126 : i32
        %add3A_129 = vector.broadcast %add3A_128 : i32 to vector<16xi32>
        %add3A_130 = arith.addi %add3A_129, %iota3A : vector<16xi32>
        %mul3A_131 = arith.constant 256 : i32
        %mul3A_132 = arith.muli %sub3A_106, %mul3A_131 : i32
        %add3A_133 = arith.addi %mul3A_132, %add3A_128 : i32
        %get3A = arith.index_cast %add3A_133 : i32 to index
        %get3A_134 = tpu.vector_load %arg5[%get3A] {strides = array<i32>} : memref<25600xi32, #tpu.memory_space<vmem>>, vector<16xi32>,
        tpu.vector_store_idx %arg7[%add3A_130, %get3A_134], %broadcast_in_dim3A_3 : memref<256x128xf32, #tpu.memory_space<vmem>>[vector<16xi32>, vector<16xi32>], vector<16xf32>,
      }
      %scan3A_111 = arith.constant 16 : i32
      %scan3A_112 = arith.constant 0 : i32
      %scan3A_113 = arith.constant 16 : i32
      %scan3A_114 = arith.addi %scan3A_112, %scan3A_113 : i32
      %scan3A_115 = arith.constant 1 : i32
      scf.for %scan3A_124 = %scan3A_112 to %scan3A_114 step %scan3A_115  : i32 {
        %mul3A_125 = arith.constant 16 : i32
        %mul3A_126 = arith.muli %scan3A_124, %mul3A_125 : i32
        %add3A_127 = arith.constant 0 : i32
        %add3A_128 = arith.addi %add3A_127, %mul3A_126 : i32
        %add3A_129 = vector.broadcast %add3A_128 : i32 to vector<16xi32>
        %add3A_130 = arith.addi %add3A_129, %iota3A : vector<16xi32>
        %mul3A_131 = arith.constant 256 : i32
        %mul3A_132 = arith.muli %add3A_95, %mul3A_131 : i32
        %add3A_133 = arith.addi %mul3A_132, %add3A_128 : i32
        %get3A = arith.index_cast %add3A_133 : i32 to index
        %get3A_134 = tpu.vector_load %arg5[%get3A] {strides = array<i32>} : memref<25600xi32, #tpu.memory_space<vmem>>, vector<16xi32>,
        tpu.vector_store_idx %arg7[%add3A_130, %get3A_134], %broadcast_in_dim3A_5 : memref<256x128xf32, #tpu.memory_space<vmem>>[vector<16xi32>, vector<16xi32>], vector<16xf32>,
      }
      %scan3A_116 = arith.constant 16 : i32
      %mul3A_117 = arith.constant 256 : i32
      %mul3A_118 = arith.muli %add3A_95, %mul3A_117 : i32
      %add3A_119 = arith.addi %mul3A_2, %mul3A_118 : i32
      %dma_start3A_120 = arith.constant 0 : i32
      %dma_start3A_121 = tpu.memref_slice %arg4[%add3A_119, %dma_start3A_120] : memref<819200x128xf32, #tpu.memory_space<hbm>> -> memref<256x128xf32, #tpu.memory_space<hbm>>
      %dma_start3A_122 = arith.constant 0 : i32
      %dma_start3A_123 = tpu.memref_slice %arg4[%add3A_119, %dma_start3A_122] : memref<819200x128xf32, #tpu.memory_space<hbm>> -> memref<256x128xf32, #tpu.memory_space<hbm>>
      tpu.enqueue_dma source(%arg7 : memref<256x128xf32, #tpu.memory_space<vmem>>) target(%dma_start3A_123 : memref<256x128xf32, #tpu.memory_space<hbm>>) target_semaphore(%arg9 : memref<!tpu.dma_semaphore, #tpu.memory_space<semaphore_mem>>)
    }
    %scan3A_43 = arith.constant 49 : i32
    %add3A_44 = arith.constant 25088 : i32
    %add3A_45 = arith.addi %mul3A_2, %add3A_44 : i32
    %dma_wait3A_46 = arith.constant 0 : i32
    %dma_wait3A_47 = tpu.memref_slice %arg4[%add3A_45, %dma_wait3A_46] : memref<819200x128xf32, #tpu.memory_space<hbm>> -> memref<256x128xf32, #tpu.memory_space<hbm>>
    %dma_wait3A_48 = arith.constant 0 : i32
    %dma_wait3A_49 = tpu.memref_slice %arg4[%add3A_45, %dma_wait3A_48] : memref<819200x128xf32, #tpu.memory_space<hbm>> -> memref<256x128xf32, #tpu.memory_space<hbm>>
    tpu.wait_dma2 semaphore(%arg8 : memref<!tpu.dma_semaphore, #tpu.memory_space<semaphore_mem>>) src(%arg6 : memref<256x128xf32, #tpu.memory_space<vmem>>) dst(%dma_wait3A_49 : memref<256x128xf32, #tpu.memory_space<hbm>>)
    %add3A_50 = arith.constant 25344 : i32
    %add3A_51 = arith.addi %mul3A_2, %add3A_50 : i32
    %dma_wait3A_52 = arith.constant 0 : i32
    %dma_wait3A_53 = tpu.memref_slice %arg4[%add3A_51, %dma_wait3A_52] : memref<819200x128xf32, #tpu.memory_space<hbm>> -> memref<256x128xf32, #tpu.memory_space<hbm>>
    %dma_wait3A_54 = arith.constant 0 : i32
    %dma_wait3A_55 = tpu.memref_slice %arg4[%add3A_51, %dma_wait3A_54] : memref<819200x128xf32, #tpu.memory_space<hbm>> -> memref<256x128xf32, #tpu.memory_space<hbm>>
    tpu.wait_dma2 semaphore(%arg9 : memref<!tpu.dma_semaphore, #tpu.memory_space<semaphore_mem>>) src(%arg7 : memref<256x128xf32, #tpu.memory_space<vmem>>) dst(%dma_wait3A_55 : memref<256x128xf32, #tpu.memory_space<hbm>>)
    return
  }
}

</mosaic_0001>

<sc_bundles>
// kernel: kernel.3.cloned.1.call-start
scs
__scs_entry_jumppad:
0x0: {  	(pc) =	sbr.rel $0x88, $3  }
0x1: {  	(tag) =	ssettag $0x0;
	lr =	simm.s32 $0x1  }
0x2: {  	[smem:$0x3F9F] =	sst lr;
	_ =	strace $0xD0000000  }
0x3: {  	_ = 	snop  }
0x4: {  	_ = 	snop  }
0x5: {  	_ = 	snop  }
0x6: {  	_ = 	snop  }
0x7: {  	_ = 	snop  }
__scs_overlays_trampoline_lowered:
0x8: {  	[smem:$0x3FAE] =	sst s0  }
0x9: {  	[smem:$0x3FAF] =	sst s1  }
0xa: {  	[smem:$0x3FB0] =	sst s2  }
0xb: {  	[smem:$0x3FB1] =	sst s3  }
0xc: {  	[smem:$0x3FB2] =	sst s4  }
0xd: {  	[smem:$0x3FB3] =	sst s5  }
0xe: {  	[smem:$0x3FB4] =	sst s6  }
0xf: {  	[smem:$0x3FB5] =	sst s7  }
0x10: {  	[smem:$0x3FB6] =	sst s8  }
0x11: {  	[smem:$0x3FB7] =	sst s9;
	s0 =	simm.s32 @!p0 $0x0  }
0x12: {  	s1 =	sld [smem:$0x3F9D];
	s0 =	simm.s32 @p0 $0x1  }
0x13: {  	[smem:$0x3FB8] =	sst s0;
	s0 =	simm.s32 @!p1 $0x0  }
0x14: {  	s2 =	sld [smem:$0x3F9C];
	s0 =	simm.s32 @p1 $0x1  }
0x15: {  	[smem:$0x3FB9] =	sst s0;
	s0 =	simm.s32 @!p2 $0x0  }
0x16: {  	s3 =	sld [smem:$0x3FDB];
	s0 =	simm.s32 @p2 $0x1  }
0x17: {  	s4 =	simm.s32 $0x1BF5;
	[smem:$0x3FBB] =	sst s0  }
0x18: {  	s0 =	sld [smem:$0x3F9E];
	_ =	swait.ge [sflag:s4], $0x0  }
0x19: {  	s7 =	sld [smem:$0x3F9F]  }
0x1a: {  	s8 =	sadd.s32 $0xFFFFE003, lr  }
0x1b: {  	s9 =	sadd.s32 $0xFFFFFEF7, lr;
	s5 =	simm.s32 $0xFFFFFFFF;
	p2 =	slt.u32 s8, $0xFFFFF086  }
0x1c: {  	p1 =	slt.u32 s9, $0xF7A;
	s5 =	simm.s32 @!p2 $0x0  }
0x1d: {  	s5 =	simm.s32 @p1 $0x1;
	p0 =	seq.s32 s7, s2  }
0x1e: {  	s7 =	smul.u32 @!p0 $0xF7A, s2;
	p2 =	seq.s32 @!p0 s5, $0x0  }
0x1f: {  	s9 =	smul.u32 $0xF7A, s1;
	s8 =	simm.s32 @!p0 $0x1BF5;
	p2 =	por !p2, p0  }
0x20: {  	[sflag:s8] =	ssyncset.s32 @!p0 $0xFFFFF086;
	s6 =	sadd.s32 @!p0 s3, s7;
	s7 =	simm.s32 @!p0 $0x108  }
0x21: {  	s3 =	sadd.s32 s3, s9;
	s6 =	sadd.s32 @!p0 $0x88, s6;
	s7 =	simm.s32 @p2 $0x1082  }
0x22: {  	[simem:s7], [sflag:s8] =	dma.local @!p0 [hbm:s6], $0xF7A  }
0x23: {  	s9 =	sor.u32 $0xD0000000, s2;
	s6 =	simm.s32 $0x108;
	_ =	swait.ge @!p0 [sflag:s8], $0x0  }
0x24: {  	s3 =	sadd.s32 $0x88, s3;
	s6 =	simm.s32 @!p1 $0x1082;
	[sflag:s4] =	ssyncset.s32 $0xFFFFF086  }
0x25: {  	[simem:s6], [sflag:s4] =	dma.local [hbm:s3], $0xF7A  }
0x26: {  	[smem:$0x3F9F] =	sst s1;
	(tag) =	ssettag s2;
	_ =	strace s9  }
0x27: {  	s1 =	sld [smem:$0x3FAF]  }
0x28: {  	s2 =	sld [smem:$0x3FB0]  }
0x29: {  	s4 =	sld [smem:$0x3FB2]  }
0x2a: {  	p0 =	seq.s32 s5, $0x0;
	s5 =	sld [smem:$0x3FB3]  }
0x2b: {  	s6 =	sld [smem:$0x3FB4]  }
0x2c: {  	s7 =	sld [smem:$0x3FB5]  }
0x2d: {  	s3 =	simm.s32 $0x108;
	s8 =	sld [smem:$0x3FB6]  }
0x2e: {  	s3 =	simm.s32 @!p0 $0x1082;
	s9 =	sld [smem:$0x3FB7]  }
0x2f: {  	lr =	sadd.s32 s0, s3;
	s0 =	sld [smem:$0x3FAE]  }
0x30: {  	s3 =	sld [smem:$0x3FB1]  }
0x31: {  	[smem:$0x3FBA] =	sst s10  }
0x32: {  	s10 =	sld [smem:$0x3FB8];
	_ =	sdelay $0x3  }
0x33: {  	p0 =	seq.s32 s10, $0x1;
	s10 =	sld [smem:$0x3FBA];
	_ =	sdelay $0x3  }
0x34: {  	[smem:$0x3FBA] =	sst s10  }
0x35: {  	s10 =	sld [smem:$0x3FB9];
	_ =	sdelay $0x3  }
0x36: {  	p1 =	seq.s32 s10, $0x1;
	s10 =	sld [smem:$0x3FBA];
	_ =	sdelay $0x3  }
0x37: {  	[smem:$0x3FBA] =	sst s10  }
0x38: {  	s10 =	sld [smem:$0x3FBB]  }
0x39: {  	_ = 	snop;
	(pc) =	sbr.ind lr, $3  }
0x3a: {  	_ = 	snop  }
0x3b: {  	_ = 	snop  }
0x3c: {  	p2 =	seq.s32 s10, $0x1;
	s10 =	sld [smem:$0x3FBA]  }
0x3d: {  	_ =	shalt  }
0x3e: {  	_ =	shalt  }
0x3f: {  	_ =	shalt  }
0x40: {  	_ =	shalt  }
0x41: {  	_ =	shalt  }
0x42: {  	_ =	shalt  }
0x43: {  	_ =	shalt  }
0x44: {  	_ =	shalt  }
0x45: {  	_ =	shalt  }
0x46: {  	_ =	shalt  }
0x47: {  	_ =	shalt  }
0x48: {  	_ =	shalt  }
0x49: {  	_ =	shalt  }
0x4a: {  	_ =	shalt  }
0x4b: {  	_ =	shalt  }
0x4c: {  	_ =	shalt  }
0x4d: {  	_ =	shalt  }
0x4e: {  	_ =	shalt  }
0x4f: {  	_ =	shalt  }
0x50: {  	_ =	shalt  }
0x51: {  	_ =	shalt  }
0x52: {  	_ =	shalt  }
0x53: {  	_ =	shalt  }
0x54: {  	_ =	shalt  }
0x55: {  	_ =	shalt  }
0x56: {  	_ =	shalt  }
0x57: {  	_ =	shalt  }
0x58: {  	_ =	shalt  }
0x59: {  	_ =	shalt  }
0x5a: {  	_ =	shalt  }
0x5b: {  	_ =	shalt  }
0x5c: {  	_ =	shalt  }
0x5d: {  	_ =	shalt  }
0x5e: {  	_ =	shalt  }
0x5f: {  	_ =	shalt  }
0x60: {  	_ =	shalt  }
0x61: {  	_ =	shalt  }
0x62: {  	_ =	shalt  }
0x63: {  	_ =	shalt  }
0x64: {  	_ =	shalt  }
0x65: {  	_ =	shalt  }
0x66: {  	_ =	shalt  }
0x67: {  	_ =	shalt  }
0x68: {  	_ =	shalt  }
0x69: {  	_ =	shalt  }
0x6a: {  	_ =	shalt  }
0x6b: {  	_ =	shalt  }
0x6c: {  	_ =	shalt  }
0x6d: {  	_ =	shalt  }
0x6e: {  	_ =	shalt  }
0x6f: {  	_ =	shalt  }
0x70: {  	_ =	shalt  }
0x71: {  	_ =	shalt  }
0x72: {  	_ =	shalt  }
0x73: {  	_ =	shalt  }
0x74: {  	_ =	shalt  }
0x75: {  	_ =	shalt  }
0x76: {  	_ =	shalt  }
0x77: {  	_ =	shalt  }
0x78: {  	_ =	shalt  }
0x79: {  	_ =	shalt  }
0x7a: {  	_ =	shalt  }
0x7b: {  	_ =	shalt  }
0x7c: {  	_ =	shalt  }
0x7d: {  	_ =	shalt  }
0x7e: {  	_ =	shalt  }
0x7f: {  	_ =	shalt  }
0x80: {  	_ =	shalt  }
0x81: {  	_ =	shalt  }
0x82: {  	_ =	shalt  }
0x83: {  	_ =	shalt  }
0x84: {  	_ =	shalt  }
0x85: {  	_ =	shalt  }
0x86: {  	_ =	shalt  }
0x87: {  	_ =	shalt  }
.Lfunc_end0:
.L_simem_size_0:
called_computation_lowered:
.L_overlay_start_0:
0x88: {  	s2 =	sld [smem:$0x3FD9]  }
0x89: {  	s3 =	sld [smem:$0x3FFE];
	_ =	sdelay $0x1  }
0x8a: {  	s1 =	srdreg.scid  }
0x8b: {  	s0 =	sand.u32 $0x1, s1  }
0x8c: {  	s17 =	sshll.u32 s0, $0xA;
	s2 =	sadd.s32 s3, s2  }
0x8d: {  	s2 =	sadd.s32 s2, s17  }
0x8e: {  	[smem:$0x3FC6] =	sst s2  }
0x8f: {  	_ = 	snop  }
0x90: {  	s2 =	sld [smem:$0x3FD0];
	(tm) =	ssettm $0x1  }
0x91: {  	s18 =	sld [smem:$0x3FFB];
	_ =	sdelay $0x3  }
0x92: {  	_ =	strace s18  }
0x93: {  	s3 =	sld [smem:$0x3FFC];
	_ =	sdelay $0x3  }
0x94: {  	_ =	strace s3  }
0x95: {  	s3 =	sld [smem:$0x3FFD];
	_ =	sdelay $0x3  }
0x96: {  	_ =	strace s3  }
0x97: {  	_ =	strace $0x8FFFFFFF  }
0x98: {  	s19 =	sld [smem:$0x3FDB];
	_ =	sdelay $0x1  }
0x99: {  	s4 =	simm.s32 $_scs_section_size  }
0x9a: {  	s5 =	simm.s32 $_size__tile_overlayer_lowered;
	s6 =	simm.s32 $_tile_overlayer_lowered  }
0x9b: {  	s22 =	simm.s32 $0x1BFF;
	s21 =	sshll.u32 s6, $0x1;
	s3 =	sadd.s32 s4, s19  }
0x9c: {  	s7 =	simm.s32 $0x0;
	s20 =	sshll.u32 s5, $0x1;
	s5 =	sadd.s32 s21, s3  }
0x9d: {  	[timem:s7], [sflag:s22] =	dma.local [hbm:s5], s20  }
0x9e: {  	_ =	swait.ge [sflag:s22], s20  }
0x9f: {  	s4 =	ssub.s32 $0x0, s20;
	[sflag:s22] =	ssyncset.done $0x0  }
0xa0: {  	[sflag:s22] =	ssyncadd.s32 s4;
	_ =	sdelay $0x1  }
0xa1: {  	s23 =	simm.s32 $0x1B8B  }
0xa2: {  	_ =	swait.ge [sflag:s23], $0x1  }
0xa3: {  	[sflag:s23] =	ssyncset.done $0x0  }
0xa4: {  	s25 =	simm.s32 $0x1B8E;
	s24 =	sld [smem:$0x3FFE];
	[sflag:s23] =	ssyncadd.s32 $0xFFFFFFFF  }
0xa5: {  	s26 =	simm.s32 $execute0_lowered;
	[smem:$0x3FD2] =	sst s25  }
0xa6: {  	s5 =	sshll.u32 s26, $0x1;
	_ =	strace $0x80000046;
	[dreg:$0x1] =	wrdreg $0xFFFFFFFF  }
0xa7: {  	s28 =	simm.s32 $_size_execute0_lowered;
	s3 =	sadd.s32 s3, s5;
	[dreg:$0x0] =	wrdreg $0x0  }
0xa8: {  	s5 =	sshll.u32 s28, $0x1;
	[dreg:$0x2] =	wrdreg s3  }
0xa9: {  	[dreg:$0x3] =	wrdreg s5  }
0xaa: {  	[dreg:$0x4] =	wrdreg $0xC0  }
0xab: {  	_ =	task [dreg:s7], $0x5FFFF  }
0xac: {  	[dreg:$0x1] =	wrdreg $0xFFFFFFFF  }
0xad: {  	[dreg:$0x0] =	wrdreg $0x60  }
0xae: {  	[dreg:$0x2] =	wrdreg s24  }
0xaf: {  	[dreg:$0x3] =	wrdreg s2  }
0xb0: {  	[dreg:$0x4] =	wrdreg $0x9  }
0xb1: {  	_ =	task.clear_ibuf [dreg:s7], $0x5FFFF;
	_ =	strace $0x90000046  }
0xb2: {  	s29 =	simm.s32 $0x9;
	_ =	strace $0x80000048  }
0xb3: {  	_ =	swait.ge [sflag:s29], $0x1  }
0xb4: {  	[sflag:s29] =	ssyncadd.s32 $0xFFFFFFFF  }
0xb5: {  	_ =	strace $0x90000048  }
0xb6: {  	_ =	sfence  }
0xb7: {  	s30 =	sld [smem:$0x0];
	_ =	sdelay $0x2  }
0xb8: {  	s31 =	sshll.u32 s1, $0xD;
	s1 =	sshrl.u32 s1, $0x2  }
0xb9: {  	s3 =	sand.u32 $0x4000, s31;
	s1 =	sadd.s32 s1, s30  }
0xba: {  	s0 =	sor.u32 s3, s0;
	s1 =	sshll.u32 s1, $0x11  }
0xbb: {  	s0 =	sor.u32 s1, s0  }
0xbc: {  	s0 =	sadd.s32 $0x8F2B, s0  }
0xbd: {  	[sflag:s0] =	ssyncadd.remote.s32 $0x1  }
0xbe: {  	_ =	sfence.sel $0xFFFF  }
0xbf: {  	[dreg:$0x0] =	wrdreg $0xFFFFFFFF;
	(pc) =	sbr.abs _section_cstart, $3  }
0xc0: {  	[dreg:$0x1] =	wrdreg $0xFFFFFFFF  }
0xc1: {  	_ =	task.clear_ibuf [dreg:s7], $0x2FFFF;
	_ =	strace $0x9FFFFFFF  }
0xc2: {  	(tm) =	ssettm $0x7FFFFFFF  }
0xc3: {  	_ =	shalt  }
tec
execute0_lowered:
.L_overlay_start_1:
0x0: {  	(tag) =	ssettag $0x1  }
0x1: {  	s5 =	rddreg [dreg:$0x0]  }
0x2: {  	s0 =	srdreg.scid;
	s2 =	rddreg [dreg:$0x1];
	s3 =	simm.s32 $0x0  }
0x3: {  	s10 =	simm.s32 $0x6400;
	s11 =	simm.s32 $0xE400;
	s4 =	sand.u32 $0x1, s0  }
0x4: {  	s12 =	simm.s32 $0x1;
	s0 =	stileid.u32;
	s1 =	sshll.u32 s4, $0x4  }
0x5: {  	s13 =	simm.s32 $0x2;
	s14 =	simm.s32 $0x0;
	s7 =	sor.u32 s0, s1  }
0x6: {  	[smem:$0x7FF] =	sst s3;
	s4 =	ssub.s32 $0x2, s4;
	s6 =	smul.u32 $0xC80, s7  }
0x7: {  	s1 =	rddreg [dreg:$0x2];
	s31 =	sshrl.u32 s4, $0x1;
	s8 =	smul.u32 $0x64000, s7  }
0x8: {  	_ =	strace $0x80000047;
	s9 =	ssub.s32 s4, s31;
	s5 =	sadd.s32 s6, s5  }
0x9: {  	v1 =	vlaneseq.u32;
	s7 =	smul.u32 $0x320000, s7;
	s4 =	sadd.s32 $0x400, s5;
	s5 =	sadd.s32 s2, s8  }
0xa: {  	v0 =	vimm.f32 $0.0e+00;
	v2 =	vimm.f32 $1.000000000e+00;
	v1 =	vmul.u32 $0x80, v1;
	s8 =	smax.u32 s9, $0x1;
	s9 =	simm.s32 $0x3;
	s6 =	sadd.s32 $0x1000, s5  }
.LBB2_1:
0xb: {  	[tilespmem:s3], [sflag:$0x3] =	stream.linear.gather [hbm4b:s4+s3], $0x6400, $0x38;
	[tilespmem:$0x16400] =	vst v63  }
0xc: {  	_ =	swait.ge [sflag:s9], $0x6400  }
0xd: {  	[sflag:s9] =	ssyncset.done $0x0  }
0xe: {  	s15 =	simm.s32 $0x0;
	s16 =	simm.s32 $0x200;
	[sflag:s9] =	ssyncadd.s32 $0xFFFF9C00  }
.LBB2_2:
0xf: {  	p0 =	sne.s32 s16, $0x1FE00;
	[tilespmem:s15+$0x6470] =	vst v0  }
0x10: {  	[tilespmem:s15+$0x6400] =	vst v0  }
0x11: {  	[tilespmem:s15+$0x6410] =	vst v0  }
.Ltmp0:
0x12: {  	[tilespmem:s15+$0x6420] =	vst v0;
	(pc) =	sbr.rel @p0 .LBB2_2-.Ltmp0, $4  }
0x13: {  	[tilespmem:s15+$0x6430] =	vst v0  }
0x14: {  	[tilespmem:s15+$0x6440] =	vst v0  }
0x15: {  	[tilespmem:s15+$0x6450] =	vst v0  }
0x16: {  	[tilespmem:s15+$0x6460] =	vst v0;
	s15 =	sshra.s32 s16, $0x2;
	s16 =	sadd.s32 $0x200, s16  }
0x17: {  	[tilespmem:s15+$0x6470] =	vst v0  }
0x18: {  	[tilespmem:s15+$0x6400] =	vst v0  }
0x19: {  	[tilespmem:s15+$0x6410] =	vst v0  }
0x1a: {  	[tilespmem:s15+$0x6420] =	vst v0  }
0x1b: {  	[tilespmem:s15+$0x6430] =	vst v0  }
0x1c: {  	[tilespmem:s15+$0x6440] =	vst v0  }
0x1d: {  	[tilespmem:s15+$0x6450] =	vst v0  }
0x1e: {  	[tilespmem:s15+$0x6460] =	vst v0;
	s15 =	simm.s32 $0x0  }
0x1f: {  	s16 =	simm.s32 $0x10;
	s17 =	simm.s32 $0x0;
	v3 =	vld [tilespmem:s15+$0x0]  }
.LBB2_4:
0x20: {  	p0 =	sne.s32 s16, $0xF0;
	_ =	sdelay $0x1  }
0x21: {  	v4 =	vmov s15;
	s15 =	smov.u32 s16  }
0x22: {  	v4 =	vshll.u32 v4, $0x7  }
0x23: {  	v4 =	vor.u32 v1, v4;
	v5 =	vand.u32 $0xFFFFFF80, v3  }
0x24: {  	v3 =	vand.u32 $0x7F, v3;
	v4 =	vadd.s32 v4, v5  }
0x25: {  	v3 =	vor.u32 v3, v4;
	_ =	sdelay $0x1  }
.Ltmp1:
0x26: {  	(pc) =	sbr.rel @p0 .LBB2_4-.Ltmp1, $3  }
0x27: {  	_ =	sdelay $0x1  }
0x28: {  	s17 =	sadd.s32 $0x10, s17;
	[tilespmem:v3+s10+$0x0] =	vst.idx.msk $0xffff, v2  }
0x29: {  	s16 =	sadd.s32 $0x10, s16;
	v3 =	vld [tilespmem:s17+$0x0]  }
0x2a: {  	_ =	sdelay $0x1  }
0x2b: {  	v4 =	vmov s15  }
0x2c: {  	v4 =	vshll.u32 v4, $0x7  }
0x2d: {  	v4 =	vor.u32 v1, v4;
	v5 =	vand.u32 $0xFFFFFF80, v3  }
0x2e: {  	v3 =	vand.u32 $0x7F, v3;
	v4 =	vadd.s32 v4, v5  }
0x2f: {  	v3 =	vor.u32 v3, v4;
	_ =	sdelay $0x4  }
0x30: {  	s15 =	simm.s32 $0x0;
	s16 =	simm.s32 $0x0;
	s17 =	simm.s32 $0x200;
	[tilespmem:v3+s10+$0x0] =	vst.idx.msk $0xffff, v2  }
0x31: {  	[hbm4b:s5+s15] =	stream.linear.scatter [tilespmem:s10], [sflag:$0x1], $0x8000, $0x38;
	[tilespmem:$0x16400] =	vst v63  }
.LBB2_6:
0x32: {  	p0 =	sne.s32 s17, $0x1FE00;
	[tilespmem:s16+$0xE470] =	vst v0  }
0x33: {  	[tilespmem:s16+$0xE400] =	vst v0  }
0x34: {  	[tilespmem:s16+$0xE410] =	vst v0  }
.Ltmp2:
0x35: {  	[tilespmem:s16+$0xE420] =	vst v0;
	(pc) =	sbr.rel @p0 .LBB2_6-.Ltmp2, $4  }
0x36: {  	[tilespmem:s16+$0xE430] =	vst v0  }
0x37: {  	[tilespmem:s16+$0xE440] =	vst v0  }
0x38: {  	[tilespmem:s16+$0xE450] =	vst v0  }
0x39: {  	[tilespmem:s16+$0xE460] =	vst v0;
	s16 =	sshra.s32 s17, $0x2;
	s17 =	sadd.s32 $0x200, s17  }
0x3a: {  	[tilespmem:s16+$0xE470] =	vst v0  }
0x3b: {  	[tilespmem:s16+$0xE400] =	vst v0  }
0x3c: {  	[tilespmem:s16+$0xE410] =	vst v0  }
0x3d: {  	[tilespmem:s16+$0xE420] =	vst v0  }
0x3e: {  	[tilespmem:s16+$0xE430] =	vst v0  }
0x3f: {  	[tilespmem:s16+$0xE440] =	vst v0  }
0x40: {  	[tilespmem:s16+$0xE450] =	vst v0  }
0x41: {  	[tilespmem:s16+$0xE460] =	vst v0;
	s17 =	sand.u32 $0xF0, s15;
	s16 =	simm.s32 $0x10  }
.LBB2_8:
0x42: {  	p0 =	sne.s32 s16, $0xF0;
	v3 =	vld [tilespmem:s17+$0x100];
	_ =	sdelay $0x2  }
0x43: {  	v4 =	vmov s15;
	s15 =	smov.u32 s16  }
0x44: {  	v4 =	vshll.u32 v4, $0x7  }
0x45: {  	v4 =	vor.u32 v1, v4;
	v5 =	vand.u32 $0xFFFFFF80, v3  }
0x46: {  	v3 =	vand.u32 $0x7F, v3;
	v4 =	vadd.s32 v4, v5  }
0x47: {  	v3 =	vor.u32 v3, v4  }
.Ltmp3:
0x48: {  	(pc) =	sbr.rel @p0 .LBB2_8-.Ltmp3, $2  }
0x49: {  	_ =	sdelay $0x2  }
0x4a: {  	s16 =	sadd.s32 $0x10, s16;
	s17 =	sand.u32 $0xF0, s15;
	[tilespmem:v3+s11+$0x0] =	vst.idx.msk $0xffff, v2  }
0x4b: {  	v3 =	vld [tilespmem:s17+$0x100];
	_ =	sdelay $0x2  }
0x4c: {  	v4 =	vmov s15  }
0x4d: {  	v4 =	vshll.u32 v4, $0x7  }
0x4e: {  	v4 =	vor.u32 v1, v4;
	v5 =	vand.u32 $0xFFFFFF80, v3  }
0x4f: {  	v3 =	vand.u32 $0x7F, v3;
	v4 =	vadd.s32 v4, v5  }
0x50: {  	v3 =	vor.u32 v3, v4;
	_ =	sdelay $0x4  }
0x51: {  	s15 =	simm.s32 $0x0;
	[tilespmem:v3+s11+$0x0] =	vst.idx.msk $0xffff, v2  }
0x52: {  	[hbm4b:s6+s15] =	stream.linear.scatter [tilespmem:s11], [sflag:$0x2], $0x8000, $0x38;
	[tilespmem:$0x16400] =	vst v63  }
.LBB2_10:
0x53: {  	s15 =	sadd.s32 $0x1, s15  }
0x54: {  	_ =	swait.ge [sflag:s12], $0x8000;
	s16 =	sshll.u32 s15, $0x9  }
0x55: {  	[sflag:s12] =	ssyncset.done $0x0;
	s16 =	sand.u32 $0x3FFFFE00, s16  }
0x56: {  	s18 =	simm.s32 $0x0;
	[sflag:s12] =	ssyncadd.s32 $0xFFFF8000;
	s17 =	sadd.s32 $0xFFFFFE00, s16  }
.LBB2_11:
0x57: {  	s19 =	sand.u32 $0x80, s18  }
0x58: {  	s20 =	sand.u32 $0x70, s18;
	s19 =	sadd.s32 s19, s17  }
0x59: {  	s19 =	sadd.s32 s20, s19  }
0x5a: {  	v3 =	vld [tilespmem:s19+$0x0];
	_ =	sdelay $0x2  }
0x5b: {  	v4 =	vmov s18  }
0x5c: {  	v4 =	vshll.u32 v4, $0x7  }
0x5d: {  	v4 =	vor.u32 v1, v4;
	v5 =	vand.u32 $0xFFFFFF80, v3  }
0x5e: {  	v3 =	vand.u32 $0x7F, v3;
	v4 =	vadd.s32 v4, v5  }
0x5f: {  	p0 =	sne.s32 s18, $0xF0;
	v3 =	vor.u32 v3, v4  }
.Ltmp4:
0x60: {  	_ = 	snop;
	(pc) =	sbr.rel @p0 .LBB2_11-.Ltmp4, $2  }
0x61: {  	_ =	sdelay $0x2  }
0x62: {  	s18 =	sadd.s32 $0x10, s18;
	[tilespmem:v3+s10+$0x0] =	vst.idx.msk $0xffff, v0  }
0x63: {  	s17 =	simm.s32 $0x0  }
0x64: {  	s18 =	sand.u32 $0x80, s17  }
0x65: {  	s19 =	sand.u32 $0x70, s17;
	s18 =	sadd.s32 s18, s16  }
0x66: {  	s18 =	sadd.s32 s19, s18  }
0x67: {  	v3 =	vld [tilespmem:s18+$0x0];
	_ =	sdelay $0x2  }
0x68: {  	v4 =	vmov s17  }
0x69: {  	v4 =	vshll.u32 v4, $0x7  }
0x6a: {  	v4 =	vor.u32 v1, v4;
	v5 =	vand.u32 $0xFFFFFF80, v3  }
0x6b: {  	v3 =	vand.u32 $0x7F, v3;
	v4 =	vadd.s32 v4, v5  }
0x6c: {  	v3 =	vor.u32 v3, v4;
	_ =	sdelay $0x1  }
0x6d: {  	s17 =	simm.s32 $0x10  }
0x6e: {  	s19 =	sand.u32 $0x80, s17;
	s18 =	simm.s32 $0x20  }
.LBB2_13:
0x6f: {  	p0 =	sne.s32 s18, $0xF0;
	s20 =	sand.u32 $0x70, s17;
	s19 =	sadd.s32 s19, s16  }
0x70: {  	s19 =	sadd.s32 s20, s19;
	[tilespmem:v3+s10+$0x0] =	vst.idx.msk $0xffff, v2  }
0x71: {  	v3 =	vld [tilespmem:s19+$0x0];
	_ =	sdelay $0x2  }
0x72: {  	v4 =	vmov s17;
	s17 =	smov.u32 s18  }
0x73: {  	v4 =	vshll.u32 v4, $0x7  }
0x74: {  	v4 =	vor.u32 v1, v4;
	v5 =	vand.u32 $0xFFFFFF80, v3  }
.Ltmp5:
0x75: {  	v3 =	vand.u32 $0x7F, v3;
	v4 =	vadd.s32 v4, v5;
	(pc) =	sbr.rel @p0 .LBB2_13-.Ltmp5, $2  }
0x76: {  	v3 =	vor.u32 v3, v4;
	_ =	sdelay $0x2  }
0x77: {  	s18 =	sadd.s32 $0x10, s18;
	s19 =	sand.u32 $0x80, s17  }
0x78: {  	_ =	sdelay $0x2  }
0x79: {  	s18 =	sand.u32 $0x70, s17;
	s19 =	sadd.s32 s19, s16  }
0x7a: {  	[tilespmem:v3+s10+$0x0] =	vst.idx.msk $0xffff, v2;
	s18 =	sadd.s32 s18, s19  }
0x7b: {  	v3 =	vld [tilespmem:s18+$0x0];
	_ =	sdelay $0x2  }
0x7c: {  	v4 =	vmov s17  }
0x7d: {  	v4 =	vshll.u32 v4, $0x7  }
0x7e: {  	v4 =	vor.u32 v1, v4;
	v5 =	vand.u32 $0xFFFFFF80, v3  }
0x7f: {  	v3 =	vand.u32 $0x7F, v3;
	v4 =	vadd.s32 v4, v5  }
0x80: {  	v3 =	vor.u32 v3, v4;
	_ =	sdelay $0x1  }
0x81: {  	s26 =	sshll.u32 s15, $0x10  }
0x82: {  	s17 =	sadd.s32 s7, s26  }
0x83: {  	s17 =	sshrl.u32 s17, $0x3  }
0x84: {  	s29 =	simm.s32 $0x0;
	s28 =	sadd.s32 s2, s17;
	[tilespmem:v3+s10+$0x0] =	vst.idx.msk $0xffff, v2  }
0x85: {  	[hbm4b:s28+s29] =	stream.linear.scatter [tilespmem:s10], [sflag:$0x1], $0x8000, $0x38;
	[tilespmem:$0x16400] =	vst v63  }
0x86: {  	s16 =	sadd.s32 $0xFFFFFF00, s16;
	s30 =	sand.u32 $0x80, s29;
	_ =	swait.ge [sflag:s13], $0x8000  }
0x87: {  	s31 =	sand.u32 $0x70, s29;
	s18 =	sadd.s32 s30, s16;
	[sflag:s13] =	ssyncset.done $0x0  }
0x88: {  	s18 =	sadd.s32 s31, s18;
	[sflag:s13] =	ssyncadd.s32 $0xFFFF8000  }
0x89: {  	v3 =	vld [tilespmem:s18+$0x0];
	_ =	sdelay $0x2  }
0x8a: {  	v4 =	vmov s29  }
0x8b: {  	v4 =	vshll.u32 v4, $0x7  }
0x8c: {  	v4 =	vor.u32 v1, v4;
	v5 =	vand.u32 $0xFFFFFF80, v3  }
0x8d: {  	v3 =	vand.u32 $0x7F, v3;
	v4 =	vadd.s32 v4, v5  }
0x8e: {  	v3 =	vor.u32 v3, v4;
	_ =	sdelay $0x1  }
0x8f: {  	s17 =	simm.s32 $0x10  }
0x90: {  	s19 =	sand.u32 $0x80, s17;
	s18 =	simm.s32 $0x20  }
.LBB2_15:
0x91: {  	p0 =	seq.s32 s18, $0xF0;
	s20 =	sand.u32 $0x70, s17;
	s19 =	sadd.s32 s19, s16  }
0x92: {  	s19 =	sadd.s32 s20, s19;
	[tilespmem:v3+s11+$0x0] =	vst.idx.msk $0xffff, v0  }
0x93: {  	v3 =	vld [tilespmem:s19+$0x0];
	_ =	sdelay $0x2  }
0x94: {  	v4 =	vmov s17;
	s17 =	smov.u32 s18  }
0x95: {  	v4 =	vshll.u32 v4, $0x7  }
0x96: {  	v4 =	vor.u32 v1, v4;
	v5 =	vand.u32 $0xFFFFFF80, v3  }
.Ltmp6:
0x97: {  	v3 =	vand.u32 $0x7F, v3;
	v4 =	vadd.s32 v4, v5;
	(pc) =	sbr.rel @!p0 .LBB2_15-.Ltmp6, $2  }
0x98: {  	v3 =	vor.u32 v3, v4;
	_ =	sdelay $0x2  }
0x99: {  	s18 =	sadd.s32 $0x10, s18;
	s19 =	sand.u32 $0x80, s17  }
0x9a: {  	_ =	sdelay $0x2  }
0x9b: {  	s18 =	sand.u32 $0x70, s17;
	s16 =	sadd.s32 s19, s16  }
0x9c: {  	[tilespmem:v3+s11+$0x0] =	vst.idx.msk $0xffff, v0;
	s16 =	sadd.s32 s18, s16  }
0x9d: {  	v3 =	vld [tilespmem:s16+$0x0];
	_ =	sdelay $0x2  }
0x9e: {  	v4 =	vmov s17  }
0x9f: {  	v4 =	vshll.u32 v4, $0x7  }
0xa0: {  	v4 =	vor.u32 v1, v4;
	v5 =	vand.u32 $0xFFFFFF80, v3  }
0xa1: {  	v3 =	vand.u32 $0x7F, v3;
	v4 =	vadd.s32 v4, v5  }
0xa2: {  	v3 =	vor.u32 v3, v4  }
0xa3: {  	s16 =	sshllo.u32 s15, $0x1  }
0xa4: {  	s30 =	simm.s32 $0x0;
	s29 =	sshll.u32 s16, $0x8  }
0xa5: {  	s31 =	sand.u32 $0x80, s30;
	s17 =	sand.u32 $0x3FFFFF00, s29  }
0xa6: {  	s20 =	sand.u32 $0x70, s30;
	s19 =	sadd.s32 s31, s17  }
0xa7: {  	s19 =	sadd.s32 s20, s19;
	[tilespmem:v3+s11+$0x0] =	vst.idx.msk $0xffff, v0  }
0xa8: {  	v3 =	vld [tilespmem:s19+$0x0];
	_ =	sdelay $0x2  }
0xa9: {  	v4 =	vmov s30  }
0xaa: {  	v4 =	vshll.u32 v4, $0x7  }
0xab: {  	v4 =	vor.u32 v1, v4;
	v5 =	vand.u32 $0xFFFFFF80, v3  }
0xac: {  	v3 =	vand.u32 $0x7F, v3;
	v4 =	vadd.s32 v4, v5  }
0xad: {  	v3 =	vor.u32 v3, v4;
	_ =	sdelay $0x1  }
0xae: {  	s18 =	simm.s32 $0x10  }
0xaf: {  	s20 =	sand.u32 $0x80, s18;
	s19 =	simm.s32 $0x20  }
.LBB2_17:
0xb0: {  	p0 =	sne.s32 s19, $0xF0;
	s21 =	sand.u32 $0x70, s18;
	s20 =	sadd.s32 s20, s17  }
0xb1: {  	s20 =	sadd.s32 s21, s20;
	[tilespmem:v3+s11+$0x0] =	vst.idx.msk $0xffff, v2  }
0xb2: {  	v3 =	vld [tilespmem:s20+$0x0];
	_ =	sdelay $0x2  }
0xb3: {  	v4 =	vmov s18;
	s18 =	smov.u32 s19  }
0xb4: {  	v4 =	vshll.u32 v4, $0x7  }
0xb5: {  	v4 =	vor.u32 v1, v4;
	v5 =	vand.u32 $0xFFFFFF80, v3  }
.Ltmp7:
0xb6: {  	v3 =	vand.u32 $0x7F, v3;
	v4 =	vadd.s32 v4, v5;
	(pc) =	sbr.rel @p0 .LBB2_17-.Ltmp7, $2  }
0xb7: {  	v3 =	vor.u32 v3, v4;
	_ =	sdelay $0x2  }
0xb8: {  	s19 =	sadd.s32 $0x10, s19;
	s20 =	sand.u32 $0x80, s18  }
0xb9: {  	_ =	sdelay $0x2  }
0xba: {  	s19 =	sand.u32 $0x70, s18;
	s17 =	sadd.s32 s20, s17  }
0xbb: {  	[tilespmem:v3+s11+$0x0] =	vst.idx.msk $0xffff, v2;
	s17 =	sadd.s32 s19, s17  }
0xbc: {  	v3 =	vld [tilespmem:s17+$0x0];
	_ =	sdelay $0x2  }
0xbd: {  	v4 =	vmov s18  }
0xbe: {  	v4 =	vshll.u32 v4, $0x7  }
0xbf: {  	v4 =	vor.u32 v1, v4;
	v5 =	vand.u32 $0xFFFFFF80, v3  }
0xc0: {  	v3 =	vand.u32 $0x7F, v3;
	v4 =	vadd.s32 v4, v5  }
0xc1: {  	v3 =	vor.u32 v3, v4  }
0xc2: {  	p0 =	sne.s32 s15, $0x31  }
.Ltmp8:
0xc3: {  	s16 =	sshll.u32 s16, $0xF;
	(pc) =	sbr.rel @p0 .LBB2_10-.Ltmp8, $4  }
0xc4: {  	s16 =	sadd.s32 s7, s16  }
0xc5: {  	s16 =	sshrl.u32 s16, $0x3  }
0xc6: {  	s16 =	sadd.s32 s2, s16;
	[tilespmem:v3+s11+$0x0] =	vst.idx.msk $0xffff, v2  }
0xc7: {  	[hbm4b:s16+s3] =	stream.linear.scatter [tilespmem:s11], [sflag:$0x2], $0x8000, $0x38;
	[tilespmem:$0x16400] =	vst v63  }
0xc8: {  	s14 =	sadd.s32 $0x1, s14  }
0xc9: {  	_ =	swait.ge [sflag:s12], $0x8000;
	p0 =	sne.s32 s14, s8  }
.Ltmp9:
0xca: {  	[sflag:s12] =	ssyncset.done $0x0;
	(pc) =	sbr.rel @p0 .LBB2_1-.Ltmp9, $4  }
0xcb: {  	[sflag:s12] =	ssyncadd.s32 $0xFFFF8000  }
0xcc: {  	_ =	swait.ge [sflag:s13], $0x8000  }
0xcd: {  	[sflag:s13] =	ssyncset.done $0x0  }
0xce: {  	[sflag:s13] =	ssyncadd.s32 $0xFFFF8000  }
0xcf: {  	_ =	sfence.sel $0x180000  }
0xd0: {  	[bflag:$0x0] =	sbarrier.arrive $0xFFFF  }
0xd1: {  	p0 =	sne.s32 s0, $0x0;
	_ =	strace $0x90000047  }
0xd2: {  	s0 =	sadd.s32 @!p0 $0x100000, s1;
	[bflag:$0x2] =	sbarrier.arrive $0xFFFF  }
0xd3: {  	[sflag:s0] =	ssyncadd.tile.s32 @!p0 $0x1;
	_ =	shalt  }
.Lfunc_end2:
_tile_overlayer_lowered:
.L_overlay_start_2:
0xd4: {  	(tag) =	ssettag $0x2  }
0xd5: {  	s0 =	rddreg [dreg:$0x0];
	s2 =	stileid.u32  }
0xd6: {  	s1 =	rddreg [dreg:$0x1];
	p0 =	sne.s32 s2, $0x0  }
0xd7: {  	s3 =	rddreg [dreg:$0x2];
	[bflag:$0x3] =	sbarrier.arrive $0xFFFF;
	s2 =	simm.s32 @!p0 $0x1C04  }
0xd8: {  	[timem:s3], [sflag:s2] =	dma.local @!p0 [hbm:s0], s1  }
0xd9: {  	s0 =	simm.s32 @!p0 $0x4  }
0xda: {  	_ =	swait.ge @!p0 [sflag:s0], s1  }
0xdb: {  	s1 =	ssub.s32 @!p0 $0x0, s1;
	[sflag:s0] =	ssyncset.done @!p0 $0x0  }
0xdc: {  	[sflag:s0] =	ssyncadd.s32 @!p0 s1  }
0xdd: {  	[bflag:$0x3] =	sbarrier.arrive $0xFFFF  }
0xde: {  	_ =	shalt  }

</sc_bundles>
